<compile_context>
chip_gen: v7x
topology: tpu7x:2x2x1
jax: 0.10.2.dev20260603
libtpu: 0.0.44.dev20260713+nightly
codegen_flags: <defaults>
</compile_context>

<pallas_src>
import functools
import jax
import jax.numpy as jnp
from jax import lax
from jax.experimental import pallas as pl
from jax.experimental.pallas import tpu as pltpu
from jax.experimental.pallas import tpu_sc as plsc

OFFSET = 0.001
BLOCK_ROWS = 8192
NW = 32
CH = 256
SC_ROWS = 32768


def _tc_body(x_ref, o_ref):
    o_ref[...] = x_ref[...]


def _sc_copy_rows(xyz, start_row, n_rows):
    d = xyz.shape[1]
    rows_w = n_rows // NW
    n_chunks = rows_w // CH
    assert n_chunks == 4
    mesh = plsc.VectorSubcoreMesh(core_axis_name="c", subcore_axis_name="s")

    @functools.partial(
        pl.kernel,
        mesh=mesh,
        out_type=jax.ShapeDtypeStruct((n_rows, d), jnp.float32),
        scratch_types=[
            pltpu.VMEM((CH, d), jnp.float32),
            pltpu.VMEM((CH, d), jnp.float32),
            pltpu.SemaphoreType.DMA,
            pltpu.SemaphoreType.DMA,
            pltpu.SemaphoreType.DMA,
            pltpu.SemaphoreType.DMA,
        ],
    )
    def k(x_hbm, o_hbm, buf0, buf1, is0, is1, os0, os1):
        c = lax.axis_index("c")
        s = lax.axis_index("s")
        wid = s * 2 + c
        base = wid * rows_w
        bufs = (buf0, buf1)
        isems = (is0, is1)
        osems = (os0, os1)

        def in_copy(j):
            b = j % 2
            return pltpu.make_async_copy(
                x_hbm.at[pl.ds(start_row + base + j * CH, CH)], bufs[b], isems[b])

        def out_copy(j):
            b = j % 2
            return pltpu.make_async_copy(
                bufs[b], o_hbm.at[pl.ds(base + j * CH, CH)], osems[b])

        in_copy(0).start()
        in_copy(1).start()
        in_copy(0).wait()
        out_copy(0).start()
        in_copy(1).wait()
        out_copy(1).start()
        out_copy(0).wait()
        in_copy(2).start()
        out_copy(1).wait()
        in_copy(3).start()
        in_copy(2).wait()
        out_copy(2).start()
        in_copy(3).wait()
        out_copy(3).start()
        out_copy(2).wait()
        out_copy(3).wait()

    return k(xyz)


def kernel(xyz):
    n, d = xyz.shape
    n_tc = n - SC_ROWS
    tc_out = pl.pallas_call(
        _tc_body,
        grid=(n_tc // BLOCK_ROWS,),
        in_specs=[pl.BlockSpec((BLOCK_ROWS, d), lambda i: (i, 0))],
        out_specs=pl.BlockSpec((BLOCK_ROWS, d), lambda i: (i, 0)),
        out_shape=jax.ShapeDtypeStruct((n_tc, d), xyz.dtype),
    )(xyz)
    sc_out = _sc_copy_rows(xyz, n_tc, SC_ROWS)
    return tc_out, sc_out

# --- scband reference (transcript-rebuilt; emitter-appended) ---
"""Pipeline reference for scband-embedding-reciprocal-21397527069079 (READ-ONLY COPY).

The authoritative reference and input builder live on the scoring server;
editing this copy changes nothing except your own understanding.
"""

import jax, jax.numpy as jnp
import numpy as np
import math

IN_DIM = 256
OUT_DIM = 256
N = 262144
OFFSET = 0.001

def _make_out_idx():
    num_features = math.ceil(OUT_DIM / IN_DIM)
    # torch.linspace(...).long() truncates toward zero; np.linspace + astype(int64) matches for non-negative values
    return np.linspace(0, num_features * IN_DIM - 1, OUT_DIM).astype(np.int64)

def setup_inputs(seed: int = 0) -> dict:
    key = jax.random.key(seed)
    xyz = jax.random.normal(key, (N, IN_DIM), dtype=jnp.float32)
    return {"xyz": xyz}

def reference(xyz):
    out_idx = jnp.asarray(_make_out_idx())
    # Original loops over channels computing 1/(|xyz[..., i:i+1]| + offset) and concatenates;
    # that is exactly the elementwise op below (same math, same column order).
    feature = 1.0 / (jnp.abs(xyz) + OFFSET)
    feature = jnp.take(feature, out_idx, axis=-1)
    return feature

if __name__ == "__main__":
    import jax
    _d = setup_inputs()
    print(jax.jit(kernel)(*tuple(_d.values())))

</pallas_src>

<mosaic_0001>
#map = affine_map<(d0, d1) -> (0, 0)>
module attributes {stable_mosaic.version = 14 : i64} {
  func.func @k(%arg0: i32, %arg1: i32, %arg2: memref<262144x256xf32, #tpu.memory_space<hbm>>, %arg3: memref<32768x256xf32, #tpu.memory_space<hbm>>, %arg4: memref<256x256xf32, #tpu.memory_space<vmem>>, %arg5: memref<256x256xf32, #tpu.memory_space<vmem>>, %arg6: memref<!tpu.dma_semaphore, #tpu.memory_space<semaphore_mem>>, %arg7: memref<!tpu.dma_semaphore, #tpu.memory_space<semaphore_mem>>, %arg8: memref<!tpu.dma_semaphore, #tpu.memory_space<semaphore_mem>>, %arg9: memref<!tpu.dma_semaphore, #tpu.memory_space<semaphore_mem>>) attributes {dimension_semantics = [#tpu.dimension_semantics<core_parallel>, #tpu.dimension_semantics<subcore_parallel>], iteration_bounds = array<i64: 2, 16>, scalar_prefetch = 0 : i64, scratch_operands = 6 : i64, tpu.core_type = #tpu.core_type<sc_vector_subcore>, window_params = [{transform_indices = #map}, {transform_indices = #map}]} {
    %mul3A = arith.constant 2 : i32
    %mul3A_0 = arith.muli %arg1, %mul3A : i32
    %add3A = arith.addi %mul3A_0, %arg0 : i32
    %mul3A_1 = arith.constant 1024 : i32
    %mul3A_2 = arith.muli %add3A, %mul3A_1 : i32
    %add3A_3 = arith.constant 229376 : i32
    %add3A_4 = arith.addi %add3A_3, %mul3A_2 : i32
    %add3A_5 = arith.constant 0 : i32
    %add3A_6 = arith.addi %add3A_4, %add3A_5 : i32
    %dma_start3A = arith.constant 0 : i32
    %dma_start3A_7 = tpu.memref_slice %arg2[%add3A_6, %dma_start3A] : memref<262144x256xf32, #tpu.memory_space<hbm>> -> memref<256x256xf32, #tpu.memory_space<hbm>>
    %dma_start3A_8 = arith.constant 0 : i32
    %dma_start3A_9 = tpu.memref_slice %arg2[%add3A_6, %dma_start3A_8] : memref<262144x256xf32, #tpu.memory_space<hbm>> -> memref<256x256xf32, #tpu.memory_space<hbm>>
    tpu.enqueue_dma source(%dma_start3A_9 : memref<256x256xf32, #tpu.memory_space<hbm>>) target(%arg4 : memref<256x256xf32, #tpu.memory_space<vmem>>) target_semaphore(%arg6 : memref<!tpu.dma_semaphore, #tpu.memory_space<semaphore_mem>>)
    %add3A_10 = arith.constant 229376 : i32
    %add3A_11 = arith.addi %add3A_10, %mul3A_2 : i32
    %add3A_12 = arith.constant 256 : i32
    %add3A_13 = arith.addi %add3A_11, %add3A_12 : i32
    %dma_start3A_14 = arith.constant 0 : i32
    %dma_start3A_15 = tpu.memref_slice %arg2[%add3A_13, %dma_start3A_14] : memref<262144x256xf32, #tpu.memory_space<hbm>> -> memref<256x256xf32, #tpu.memory_space<hbm>>
    %dma_start3A_16 = arith.constant 0 : i32
    %dma_start3A_17 = tpu.memref_slice %arg2[%add3A_13, %dma_start3A_16] : memref<262144x256xf32, #tpu.memory_space<hbm>> -> memref<256x256xf32, #tpu.memory_space<hbm>>
    tpu.enqueue_dma source(%dma_start3A_17 : memref<256x256xf32, #tpu.memory_space<hbm>>) target(%arg5 : memref<256x256xf32, #tpu.memory_space<vmem>>) target_semaphore(%arg7 : memref<!tpu.dma_semaphore, #tpu.memory_space<semaphore_mem>>)
    %add3A_18 = arith.constant 229376 : i32
    %add3A_19 = arith.addi %add3A_18, %mul3A_2 : i32
    %add3A_20 = arith.constant 0 : i32
    %add3A_21 = arith.addi %add3A_19, %add3A_20 : i32
    %dma_wait3A = arith.constant 0 : i32
    %dma_wait3A_22 = tpu.memref_slice %arg2[%add3A_21, %dma_wait3A] : memref<262144x256xf32, #tpu.memory_space<hbm>> -> memref<256x256xf32, #tpu.memory_space<hbm>>
    %dma_wait3A_23 = arith.constant 0 : i32
    %dma_wait3A_24 = tpu.memref_slice %arg2[%add3A_21, %dma_wait3A_23] : memref<262144x256xf32, #tpu.memory_space<hbm>> -> memref<256x256xf32, #tpu.memory_space<hbm>>
    tpu.wait_dma2 semaphore(%arg6 : memref<!tpu.dma_semaphore, #tpu.memory_space<semaphore_mem>>) src(%dma_wait3A_24 : memref<256x256xf32, #tpu.memory_space<hbm>>) dst(%arg4 : memref<256x256xf32, #tpu.memory_space<vmem>>)
    %add3A_25 = arith.constant 0 : i32
    %add3A_26 = arith.addi %mul3A_2, %add3A_25 : i32
    %dma_start3A_27 = arith.constant 0 : i32
    %dma_start3A_28 = tpu.memref_slice %arg3[%add3A_26, %dma_start3A_27] : memref<32768x256xf32, #tpu.memory_space<hbm>> -> memref<256x256xf32, #tpu.memory_space<hbm>>
    %dma_start3A_29 = arith.constant 0 : i32
    %dma_start3A_30 = tpu.memref_slice %arg3[%add3A_26, %dma_start3A_29] : memref<32768x256xf32, #tpu.memory_space<hbm>> -> memref<256x256xf32, #tpu.memory_space<hbm>>
    tpu.enqueue_dma source(%arg4 : memref<256x256xf32, #tpu.memory_space<vmem>>) target(%dma_start3A_30 : memref<256x256xf32, #tpu.memory_space<hbm>>) target_semaphore(%arg8 : memref<!tpu.dma_semaphore, #tpu.memory_space<semaphore_mem>>)
    %add3A_31 = arith.constant 229376 : i32
    %add3A_32 = arith.addi %add3A_31, %mul3A_2 : i32
    %add3A_33 = arith.constant 256 : i32
    %add3A_34 = arith.addi %add3A_32, %add3A_33 : i32
    %dma_wait3A_35 = arith.constant 0 : i32
    %dma_wait3A_36 = tpu.memref_slice %arg2[%add3A_34, %dma_wait3A_35] : memref<262144x256xf32, #tpu.memory_space<hbm>> -> memref<256x256xf32, #tpu.memory_space<hbm>>
    %dma_wait3A_37 = arith.constant 0 : i32
    %dma_wait3A_38 = tpu.memref_slice %arg2[%add3A_34, %dma_wait3A_37] : memref<262144x256xf32, #tpu.memory_space<hbm>> -> memref<256x256xf32, #tpu.memory_space<hbm>>
    tpu.wait_dma2 semaphore(%arg7 : memref<!tpu.dma_semaphore, #tpu.memory_space<semaphore_mem>>) src(%dma_wait3A_38 : memref<256x256xf32, #tpu.memory_space<hbm>>) dst(%arg5 : memref<256x256xf32, #tpu.memory_space<vmem>>)
    %add3A_39 = arith.constant 256 : i32
    %add3A_40 = arith.addi %mul3A_2, %add3A_39 : i32
    %dma_start3A_41 = arith.constant 0 : i32
    %dma_start3A_42 = tpu.memref_slice %arg3[%add3A_40, %dma_start3A_41] : memref<32768x256xf32, #tpu.memory_space<hbm>> -> memref<256x256xf32, #tpu.memory_space<hbm>>
    %dma_start3A_43 = arith.constant 0 : i32
    %dma_start3A_44 = tpu.memref_slice %arg3[%add3A_40, %dma_start3A_43] : memref<32768x256xf32, #tpu.memory_space<hbm>> -> memref<256x256xf32, #tpu.memory_space<hbm>>
    tpu.enqueue_dma source(%arg5 : memref<256x256xf32, #tpu.memory_space<vmem>>) target(%dma_start3A_44 : memref<256x256xf32, #tpu.memory_space<hbm>>) target_semaphore(%arg9 : memref<!tpu.dma_semaphore, #tpu.memory_space<semaphore_mem>>)
    %add3A_45 = arith.constant 0 : i32
    %add3A_46 = arith.addi %mul3A_2, %add3A_45 : i32
    %dma_wait3A_47 = arith.constant 0 : i32
    %dma_wait3A_48 = tpu.memref_slice %arg3[%add3A_46, %dma_wait3A_47] : memref<32768x256xf32, #tpu.memory_space<hbm>> -> memref<256x256xf32, #tpu.memory_space<hbm>>
    %dma_wait3A_49 = arith.constant 0 : i32
    %dma_wait3A_50 = tpu.memref_slice %arg3[%add3A_46, %dma_wait3A_49] : memref<32768x256xf32, #tpu.memory_space<hbm>> -> memref<256x256xf32, #tpu.memory_space<hbm>>
    tpu.wait_dma2 semaphore(%arg8 : memref<!tpu.dma_semaphore, #tpu.memory_space<semaphore_mem>>) src(%arg4 : memref<256x256xf32, #tpu.memory_space<vmem>>) dst(%dma_wait3A_50 : memref<256x256xf32, #tpu.memory_space<hbm>>)
    %add3A_51 = arith.constant 229376 : i32
    %add3A_52 = arith.addi %add3A_51, %mul3A_2 : i32
    %add3A_53 = arith.constant 512 : i32
    %add3A_54 = arith.addi %add3A_52, %add3A_53 : i32
    %dma_start3A_55 = arith.constant 0 : i32
    %dma_start3A_56 = tpu.memref_slice %arg2[%add3A_54, %dma_start3A_55] : memref<262144x256xf32, #tpu.memory_space<hbm>> -> memref<256x256xf32, #tpu.memory_space<hbm>>
    %dma_start3A_57 = arith.constant 0 : i32
    %dma_start3A_58 = tpu.memref_slice %arg2[%add3A_54, %dma_start3A_57] : memref<262144x256xf32, #tpu.memory_space<hbm>> -> memref<256x256xf32, #tpu.memory_space<hbm>>
    tpu.enqueue_dma source(%dma_start3A_58 : memref<256x256xf32, #tpu.memory_space<hbm>>) target(%arg4 : memref<256x256xf32, #tpu.memory_space<vmem>>) target_semaphore(%arg6 : memref<!tpu.dma_semaphore, #tpu.memory_space<semaphore_mem>>)
    %add3A_59 = arith.constant 256 : i32
    %add3A_60 = arith.addi %mul3A_2, %add3A_59 : i32
    %dma_wait3A_61 = arith.constant 0 : i32
    %dma_wait3A_62 = tpu.memref_slice %arg3[%add3A_60, %dma_wait3A_61] : memref<32768x256xf32, #tpu.memory_space<hbm>> -> memref<256x256xf32, #tpu.memory_space<hbm>>
    %dma_wait3A_63 = arith.constant 0 : i32
    %dma_wait3A_64 = tpu.memref_slice %arg3[%add3A_60, %dma_wait3A_63] : memref<32768x256xf32, #tpu.memory_space<hbm>> -> memref<256x256xf32, #tpu.memory_space<hbm>>
    tpu.wait_dma2 semaphore(%arg9 : memref<!tpu.dma_semaphore, #tpu.memory_space<semaphore_mem>>) src(%arg5 : memref<256x256xf32, #tpu.memory_space<vmem>>) dst(%dma_wait3A_64 : memref<256x256xf32, #tpu.memory_space<hbm>>)
    %add3A_65 = arith.constant 229376 : i32
    %add3A_66 = arith.addi %add3A_65, %mul3A_2 : i32
    %add3A_67 = arith.constant 768 : i32
    %add3A_68 = arith.addi %add3A_66, %add3A_67 : i32
    %dma_start3A_69 = arith.constant 0 : i32
    %dma_start3A_70 = tpu.memref_slice %arg2[%add3A_68, %dma_start3A_69] : memref<262144x256xf32, #tpu.memory_space<hbm>> -> memref<256x256xf32, #tpu.memory_space<hbm>>
    %dma_start3A_71 = arith.constant 0 : i32
    %dma_start3A_72 = tpu.memref_slice %arg2[%add3A_68, %dma_start3A_71] : memref<262144x256xf32, #tpu.memory_space<hbm>> -> memref<256x256xf32, #tpu.memory_space<hbm>>
    tpu.enqueue_dma source(%dma_start3A_72 : memref<256x256xf32, #tpu.memory_space<hbm>>) target(%arg5 : memref<256x256xf32, #tpu.memory_space<vmem>>) target_semaphore(%arg7 : memref<!tpu.dma_semaphore, #tpu.memory_space<semaphore_mem>>)
    %add3A_73 = arith.constant 229376 : i32
    %add3A_74 = arith.addi %add3A_73, %mul3A_2 : i32
    %add3A_75 = arith.constant 512 : i32
    %add3A_76 = arith.addi %add3A_74, %add3A_75 : i32
    %dma_wait3A_77 = arith.constant 0 : i32
    %dma_wait3A_78 = tpu.memref_slice %arg2[%add3A_76, %dma_wait3A_77] : memref<262144x256xf32, #tpu.memory_space<hbm>> -> memref<256x256xf32, #tpu.memory_space<hbm>>
    %dma_wait3A_79 = arith.constant 0 : i32
    %dma_wait3A_80 = tpu.memref_slice %arg2[%add3A_76, %dma_wait3A_79] : memref<262144x256xf32, #tpu.memory_space<hbm>> -> memref<256x256xf32, #tpu.memory_space<hbm>>
    tpu.wait_dma2 semaphore(%arg6 : memref<!tpu.dma_semaphore, #tpu.memory_space<semaphore_mem>>) src(%dma_wait3A_80 : memref<256x256xf32, #tpu.memory_space<hbm>>) dst(%arg4 : memref<256x256xf32, #tpu.memory_space<vmem>>)
    %add3A_81 = arith.constant 512 : i32
    %add3A_82 = arith.addi %mul3A_2, %add3A_81 : i32
    %dma_start3A_83 = arith.constant 0 : i32
    %dma_start3A_84 = tpu.memref_slice %arg3[%add3A_82, %dma_start3A_83] : memref<32768x256xf32, #tpu.memory_space<hbm>> -> memref<256x256xf32, #tpu.memory_space<hbm>>
    %dma_start3A_85 = arith.constant 0 : i32
    %dma_start3A_86 = tpu.memref_slice %arg3[%add3A_82, %dma_start3A_85] : memref<32768x256xf32, #tpu.memory_space<hbm>> -> memref<256x256xf32, #tpu.memory_space<hbm>>
    tpu.enqueue_dma source(%arg4 : memref<256x256xf32, #tpu.memory_space<vmem>>) target(%dma_start3A_86 : memref<256x256xf32, #tpu.memory_space<hbm>>) target_semaphore(%arg8 : memref<!tpu.dma_semaphore, #tpu.memory_space<semaphore_mem>>)
    %add3A_87 = arith.constant 229376 : i32
    %add3A_88 = arith.addi %add3A_87, %mul3A_2 : i32
    %add3A_89 = arith.constant 768 : i32
    %add3A_90 = arith.addi %add3A_88, %add3A_89 : i32
    %dma_wait3A_91 = arith.constant 0 : i32
    %dma_wait3A_92 = tpu.memref_slice %arg2[%add3A_90, %dma_wait3A_91] : memref<262144x256xf32, #tpu.memory_space<hbm>> -> memref<256x256xf32, #tpu.memory_space<hbm>>
    %dma_wait3A_93 = arith.constant 0 : i32
    %dma_wait3A_94 = tpu.memref_slice %arg2[%add3A_90, %dma_wait3A_93] : memref<262144x256xf32, #tpu.memory_space<hbm>> -> memref<256x256xf32, #tpu.memory_space<hbm>>
    tpu.wait_dma2 semaphore(%arg7 : memref<!tpu.dma_semaphore, #tpu.memory_space<semaphore_mem>>) src(%dma_wait3A_94 : memref<256x256xf32, #tpu.memory_space<hbm>>) dst(%arg5 : memref<256x256xf32, #tpu.memory_space<vmem>>)
    %add3A_95 = arith.constant 768 : i32
    %add3A_96 = arith.addi %mul3A_2, %add3A_95 : i32
    %dma_start3A_97 = arith.constant 0 : i32
    %dma_start3A_98 = tpu.memref_slice %arg3[%add3A_96, %dma_start3A_97] : memref<32768x256xf32, #tpu.memory_space<hbm>> -> memref<256x256xf32, #tpu.memory_space<hbm>>
    %dma_start3A_99 = arith.constant 0 : i32
    %dma_start3A_100 = tpu.memref_slice %arg3[%add3A_96, %dma_start3A_99] : memref<32768x256xf32, #tpu.memory_space<hbm>> -> memref<256x256xf32, #tpu.memory_space<hbm>>
    tpu.enqueue_dma source(%arg5 : memref<256x256xf32, #tpu.memory_space<vmem>>) target(%dma_start3A_100 : memref<256x256xf32, #tpu.memory_space<hbm>>) target_semaphore(%arg9 : memref<!tpu.dma_semaphore, #tpu.memory_space<semaphore_mem>>)
    %add3A_101 = arith.constant 512 : i32
    %add3A_102 = arith.addi %mul3A_2, %add3A_101 : i32
    %dma_wait3A_103 = arith.constant 0 : i32
    %dma_wait3A_104 = tpu.memref_slice %arg3[%add3A_102, %dma_wait3A_103] : memref<32768x256xf32, #tpu.memory_space<hbm>> -> memref<256x256xf32, #tpu.memory_space<hbm>>
    %dma_wait3A_105 = arith.constant 0 : i32
    %dma_wait3A_106 = tpu.memref_slice %arg3[%add3A_102, %dma_wait3A_105] : memref<32768x256xf32, #tpu.memory_space<hbm>> -> memref<256x256xf32, #tpu.memory_space<hbm>>
    tpu.wait_dma2 semaphore(%arg8 : memref<!tpu.dma_semaphore, #tpu.memory_space<semaphore_mem>>) src(%arg4 : memref<256x256xf32, #tpu.memory_space<vmem>>) dst(%dma_wait3A_106 : memref<256x256xf32, #tpu.memory_space<hbm>>)
    %add3A_107 = arith.constant 768 : i32
    %add3A_108 = arith.addi %mul3A_2, %add3A_107 : i32
    %dma_wait3A_109 = arith.constant 0 : i32
    %dma_wait3A_110 = tpu.memref_slice %arg3[%add3A_108, %dma_wait3A_109] : memref<32768x256xf32, #tpu.memory_space<hbm>> -> memref<256x256xf32, #tpu.memory_space<hbm>>
    %dma_wait3A_111 = arith.constant 0 : i32
    %dma_wait3A_112 = tpu.memref_slice %arg3[%add3A_108, %dma_wait3A_111] : memref<32768x256xf32, #tpu.memory_space<hbm>> -> memref<256x256xf32, #tpu.memory_space<hbm>>
    tpu.wait_dma2 semaphore(%arg9 : memref<!tpu.dma_semaphore, #tpu.memory_space<semaphore_mem>>) src(%arg5 : memref<256x256xf32, #tpu.memory_space<vmem>>) dst(%dma_wait3A_112 : memref<256x256xf32, #tpu.memory_space<hbm>>)
    return
  }
}

module attributes {stable_mosaic.version = 14 : i64} {
  func.func @_tc_body(%arg0: i32, %arg1: memref<8192x256xf32, #tpu.memory_space<vmem>>, %arg2: memref<8192x256xf32, #tpu.memory_space<vmem>>) attributes {dimension_semantics = [#tpu.dimension_semantics<arbitrary>], iteration_bounds = array<i64: 28>, scalar_prefetch = 0 : i64, scratch_operands = 0 : i64, tpu.core_type = #tpu.core_type<tc>, window_params = [{transform_indices = @transform_0, window_bounds = array<i64: 8192, 256>}, {transform_indices = @transform_1, window_bounds = array<i64: 8192, 256>}]} {
    %get3A = arith.constant 0 : index
    %get3A_0 = arith.constant 0 : index
    %get3A_1 = vector.load %arg1[%get3A, %get3A_0] : memref<8192x256xf32, #tpu.memory_space<vmem>>, vector<8192x256xf32>
    %swap3A = arith.constant 0 : index
    %swap3A_2 = arith.constant 0 : index
    %swap3A_3 = vector.load %arg2[%swap3A, %swap3A_2] : memref<8192x256xf32, #tpu.memory_space<vmem>>, vector<8192x256xf32>
    tpu.vector_store %arg2[%swap3A, %swap3A_2], %get3A_1 {strides = array<i32>} : memref<8192x256xf32, #tpu.memory_space<vmem>>, vector<8192x256xf32>,
    return
  }
  func.func @transform_0(%arg0: i32) -> (i32, i32) {
    %c0_i32 = arith.constant 0 : i32
    %c0_i32_0 = arith.constant 0 : i32
    return %arg0, %c0_i32 : i32, i32
  }
  func.func @transform_1(%arg0: i32) -> (i32, i32) {
    %c0_i32 = arith.constant 0 : i32
    %c0_i32_0 = arith.constant 0 : i32
    return %arg0, %c0_i32 : i32, i32
  }
}

</mosaic_0001>

<sc_bundles>
// kernel: kernel.4.cloned.1.call-start
scs
__scs_entry_jumppad:
0x0: {  	(pc) =	sbr.rel $0x88, $3  }
0x1: {  	(tag) =	ssettag $0x0;
	lr =	simm.s32 $0x1  }
0x2: {  	[smem:$0x3FA0] =	sst lr;
	_ =	strace $0xD0000000  }
0x3: {  	_ = 	snop  }
0x4: {  	_ = 	snop  }
0x5: {  	_ = 	snop  }
0x6: {  	_ = 	snop  }
0x7: {  	_ = 	snop  }
__scs_overlays_trampoline_lowered:
0x8: {  	[smem:$0x3FAF] =	sst s0  }
0x9: {  	[smem:$0x3FB0] =	sst s1  }
0xa: {  	[smem:$0x3FB1] =	sst s2  }
0xb: {  	[smem:$0x3FB2] =	sst s3  }
0xc: {  	[smem:$0x3FB3] =	sst s4  }
0xd: {  	[smem:$0x3FB4] =	sst s5  }
0xe: {  	[smem:$0x3FB5] =	sst s6  }
0xf: {  	[smem:$0x3FB6] =	sst s7  }
0x10: {  	[smem:$0x3FB7] =	sst s8  }
0x11: {  	[smem:$0x3FB8] =	sst s9;
	s0 =	simm.s32 @!p0 $0x0  }
0x12: {  	s1 =	sld [smem:$0x3F9E];
	s0 =	simm.s32 @p0 $0x1  }
0x13: {  	[smem:$0x3FB9] =	sst s0;
	s0 =	simm.s32 @!p1 $0x0  }
0x14: {  	s2 =	sld [smem:$0x3F9D];
	s0 =	simm.s32 @p1 $0x1  }
0x15: {  	[smem:$0x3FBA] =	sst s0;
	s0 =	simm.s32 @!p2 $0x0  }
0x16: {  	s3 =	sld [smem:$0x3FDB];
	s0 =	simm.s32 @p2 $0x1  }
0x17: {  	s4 =	simm.s32 $0x1BF5;
	[smem:$0x3FBC] =	sst s0  }
0x18: {  	s0 =	sld [smem:$0x3F9F];
	_ =	swait.ge [sflag:s4], $0x0  }
0x19: {  	s7 =	sld [smem:$0x3FA0]  }
0x1a: {  	s8 =	sadd.s32 $0xFFFFE003, lr  }
0x1b: {  	s9 =	sadd.s32 $0xFFFFFEF7, lr;
	s5 =	simm.s32 $0xFFFFFFFF;
	p2 =	slt.u32 s8, $0xFFFFF086  }
0x1c: {  	p1 =	slt.u32 s9, $0xF7A;
	s5 =	simm.s32 @!p2 $0x0  }
0x1d: {  	s5 =	simm.s32 @p1 $0x1;
	p0 =	seq.s32 s7, s2  }
0x1e: {  	s7 =	smul.u32 @!p0 $0xF7A, s2;
	p2 =	seq.s32 @!p0 s5, $0x0  }
0x1f: {  	s9 =	smul.u32 $0xF7A, s1;
	s8 =	simm.s32 @!p0 $0x1BF5;
	p2 =	por !p2, p0  }
0x20: {  	[sflag:s8] =	ssyncset.s32 @!p0 $0xFFFFF086;
	s6 =	sadd.s32 @!p0 s3, s7;
	s7 =	simm.s32 @!p0 $0x108  }
0x21: {  	s3 =	sadd.s32 s3, s9;
	s6 =	sadd.s32 @!p0 $0x88, s6;
	s7 =	simm.s32 @p2 $0x1082  }
0x22: {  	[simem:s7], [sflag:s8] =	dma.local @!p0 [hbm:s6], $0xF7A  }
0x23: {  	s9 =	sor.u32 $0xD0000000, s2;
	s6 =	simm.s32 $0x108;
	_ =	swait.ge @!p0 [sflag:s8], $0x0  }
0x24: {  	s3 =	sadd.s32 $0x88, s3;
	s6 =	simm.s32 @!p1 $0x1082;
	[sflag:s4] =	ssyncset.s32 $0xFFFFF086  }
0x25: {  	[simem:s6], [sflag:s4] =	dma.local [hbm:s3], $0xF7A  }
0x26: {  	[smem:$0x3FA0] =	sst s1;
	(tag) =	ssettag s2;
	_ =	strace s9  }
0x27: {  	s1 =	sld [smem:$0x3FB0]  }
0x28: {  	s2 =	sld [smem:$0x3FB1]  }
0x29: {  	s4 =	sld [smem:$0x3FB3]  }
0x2a: {  	p0 =	seq.s32 s5, $0x0;
	s5 =	sld [smem:$0x3FB4]  }
0x2b: {  	s6 =	sld [smem:$0x3FB5]  }
0x2c: {  	s7 =	sld [smem:$0x3FB6]  }
0x2d: {  	s3 =	simm.s32 $0x108;
	s8 =	sld [smem:$0x3FB7]  }
0x2e: {  	s3 =	simm.s32 @!p0 $0x1082;
	s9 =	sld [smem:$0x3FB8]  }
0x2f: {  	lr =	sadd.s32 s0, s3;
	s0 =	sld [smem:$0x3FAF]  }
0x30: {  	s3 =	sld [smem:$0x3FB2]  }
0x31: {  	[smem:$0x3FBB] =	sst s10  }
0x32: {  	s10 =	sld [smem:$0x3FB9];
	_ =	sdelay $0x3  }
0x33: {  	p0 =	seq.s32 s10, $0x1;
	s10 =	sld [smem:$0x3FBB];
	_ =	sdelay $0x3  }
0x34: {  	[smem:$0x3FBB] =	sst s10  }
0x35: {  	s10 =	sld [smem:$0x3FBA];
	_ =	sdelay $0x3  }
0x36: {  	p1 =	seq.s32 s10, $0x1;
	s10 =	sld [smem:$0x3FBB];
	_ =	sdelay $0x3  }
0x37: {  	[smem:$0x3FBB] =	sst s10  }
0x38: {  	s10 =	sld [smem:$0x3FBC]  }
0x39: {  	_ = 	snop;
	(pc) =	sbr.ind lr, $3  }
0x3a: {  	_ = 	snop  }
0x3b: {  	_ = 	snop  }
0x3c: {  	p2 =	seq.s32 s10, $0x1;
	s10 =	sld [smem:$0x3FBB]  }
0x3d: {  	_ =	shalt  }
0x3e: {  	_ =	shalt  }
0x3f: {  	_ =	shalt  }
0x40: {  	_ =	shalt  }
0x41: {  	_ =	shalt  }
0x42: {  	_ =	shalt  }
0x43: {  	_ =	shalt  }
0x44: {  	_ =	shalt  }
0x45: {  	_ =	shalt  }
0x46: {  	_ =	shalt  }
0x47: {  	_ =	shalt  }
0x48: {  	_ =	shalt  }
0x49: {  	_ =	shalt  }
0x4a: {  	_ =	shalt  }
0x4b: {  	_ =	shalt  }
0x4c: {  	_ =	shalt  }
0x4d: {  	_ =	shalt  }
0x4e: {  	_ =	shalt  }
0x4f: {  	_ =	shalt  }
0x50: {  	_ =	shalt  }
0x51: {  	_ =	shalt  }
0x52: {  	_ =	shalt  }
0x53: {  	_ =	shalt  }
0x54: {  	_ =	shalt  }
0x55: {  	_ =	shalt  }
0x56: {  	_ =	shalt  }
0x57: {  	_ =	shalt  }
0x58: {  	_ =	shalt  }
0x59: {  	_ =	shalt  }
0x5a: {  	_ =	shalt  }
0x5b: {  	_ =	shalt  }
0x5c: {  	_ =	shalt  }
0x5d: {  	_ =	shalt  }
0x5e: {  	_ =	shalt  }
0x5f: {  	_ =	shalt  }
0x60: {  	_ =	shalt  }
0x61: {  	_ =	shalt  }
0x62: {  	_ =	shalt  }
0x63: {  	_ =	shalt  }
0x64: {  	_ =	shalt  }
0x65: {  	_ =	shalt  }
0x66: {  	_ =	shalt  }
0x67: {  	_ =	shalt  }
0x68: {  	_ =	shalt  }
0x69: {  	_ =	shalt  }
0x6a: {  	_ =	shalt  }
0x6b: {  	_ =	shalt  }
0x6c: {  	_ =	shalt  }
0x6d: {  	_ =	shalt  }
0x6e: {  	_ =	shalt  }
0x6f: {  	_ =	shalt  }
0x70: {  	_ =	shalt  }
0x71: {  	_ =	shalt  }
0x72: {  	_ =	shalt  }
0x73: {  	_ =	shalt  }
0x74: {  	_ =	shalt  }
0x75: {  	_ =	shalt  }
0x76: {  	_ =	shalt  }
0x77: {  	_ =	shalt  }
0x78: {  	_ =	shalt  }
0x79: {  	_ =	shalt  }
0x7a: {  	_ =	shalt  }
0x7b: {  	_ =	shalt  }
0x7c: {  	_ =	shalt  }
0x7d: {  	_ =	shalt  }
0x7e: {  	_ =	shalt  }
0x7f: {  	_ =	shalt  }
0x80: {  	_ =	shalt  }
0x81: {  	_ =	shalt  }
0x82: {  	_ =	shalt  }
0x83: {  	_ =	shalt  }
0x84: {  	_ =	shalt  }
0x85: {  	_ =	shalt  }
0x86: {  	_ =	shalt  }
0x87: {  	_ =	shalt  }
.Lfunc_end0:
.L_simem_size_0:
called_computation_lowered:
.L_overlay_start_0:
0x88: {  	s2 =	sld [smem:$0x3FD9]  }
0x89: {  	s3 =	sld [smem:$0x3FFE];
	_ =	sdelay $0x1  }
0x8a: {  	s1 =	srdreg.scid  }
0x8b: {  	s0 =	sand.u32 $0x1, s1  }
0x8c: {  	s15 =	sshll.u32 s0, $0xA;
	s2 =	sadd.s32 s3, s2  }
0x8d: {  	s2 =	sadd.s32 s2, s15  }
0x8e: {  	[smem:$0x3FC7] =	sst s2  }
0x8f: {  	_ = 	snop  }
0x90: {  	s2 =	sld [smem:$0x3FD0];
	_ =	sdelay $0x2  }
0x91: {  	s4 =	simm.s32 $0xA;
	s5 =	simm.s32 $0x10;
	s16 =	sld [smem:$0x3FC9]  }
0x92: {  	[smem:s5], [sflag:s4] =	dma.local [hbm:s2], $0x1  }
0x93: {  	_ =	swait.eq [sflag:s4], $0x1  }
0x94: {  	[sflag:s4] =	ssyncset.done $0x0  }
0x95: {  	[sflag:s4] =	ssyncadd.s32 $0xFFFFFFFF  }
0x96: {  	s17 =	sld [smem:$0x11];
	(tm) =	ssettm $0x1  }
0x97: {  	s18 =	sld [smem:$0x3FFB];
	_ =	sdelay $0x3  }
0x98: {  	_ =	strace s18  }
0x99: {  	s4 =	sld [smem:$0x3FFC];
	_ =	sdelay $0x3  }
0x9a: {  	_ =	strace s4  }
0x9b: {  	s4 =	sld [smem:$0x3FFD];
	_ =	sdelay $0x3  }
0x9c: {  	_ =	strace s4  }
0x9d: {  	_ =	strace $0x8FFFFFFF  }
0x9e: {  	s19 =	sld [smem:$0x3FDB];
	_ =	sdelay $0x1  }
0x9f: {  	s20 =	simm.s32 $_scs_section_size  }
0xa0: {  	s6 =	simm.s32 $_size__tile_overlayer_lowered;
	s7 =	simm.s32 $_tile_overlayer_lowered  }
0xa1: {  	s23 =	simm.s32 $0x1BFF;
	s22 =	sshll.u32 s7, $0x1;
	s4 =	sadd.s32 s20, s19  }
0xa2: {  	s8 =	simm.s32 $0x0;
	s21 =	sshll.u32 s6, $0x1;
	s6 =	sadd.s32 s22, s4  }
0xa3: {  	[timem:s8], [sflag:s23] =	dma.local [hbm:s6], s21  }
0xa4: {  	_ =	swait.ge [sflag:s23], s21  }
0xa5: {  	s5 =	ssub.s32 $0x0, s21;
	[sflag:s23] =	ssyncset.done $0x0  }
0xa6: {  	[sflag:s23] =	ssyncadd.s32 s5;
	_ =	sdelay $0x1  }
0xa7: {  	s24 =	simm.s32 $0x1B8B  }
0xa8: {  	_ =	swait.ge [sflag:s24], $0x1  }
0xa9: {  	[sflag:s24] =	ssyncset.done $0x0  }
0xaa: {  	s25 =	simm.s32 $0x1B8E;
	[sflag:s24] =	ssyncadd.s32 $0xFFFFFFFF  }
0xab: {  	s26 =	simm.s32 $execute0_lowered;
	[smem:$0x3FD2] =	sst s25  }
0xac: {  	s5 =	sshll.u32 s26, $0x1;
	_ =	strace $0x80000046;
	[dreg:$0x1] =	wrdreg $0xFFFFFFFF  }
0xad: {  	s28 =	simm.s32 $_size_execute0_lowered;
	s4 =	sadd.s32 s4, s5;
	[dreg:$0x0] =	wrdreg $0x0  }
0xae: {  	s5 =	sshll.u32 s28, $0x1;
	[dreg:$0x2] =	wrdreg s4  }
0xaf: {  	[dreg:$0x3] =	wrdreg s5  }
0xb0: {  	[dreg:$0x4] =	wrdreg $0xC0  }
0xb1: {  	_ =	task [dreg:s8], $0x5FFFF  }
0xb2: {  	[dreg:$0x1] =	wrdreg $0xFFFFFFFF  }
0xb3: {  	[dreg:$0x0] =	wrdreg $0x60  }
0xb4: {  	[dreg:$0x2] =	wrdreg s16  }
0xb5: {  	[dreg:$0x3] =	wrdreg s17  }
0xb6: {  	[dreg:$0x4] =	wrdreg $0x9  }
0xb7: {  	_ =	task.clear_ibuf [dreg:s8], $0x5FFFF;
	_ =	strace $0x90000046  }
0xb8: {  	s29 =	simm.s32 $0x9;
	_ =	strace $0x80000048  }
0xb9: {  	_ =	swait.ge [sflag:s29], $0x1  }
0xba: {  	[sflag:s29] =	ssyncadd.s32 $0xFFFFFFFF  }
0xbb: {  	_ =	strace $0x90000048  }
0xbc: {  	_ =	sfence  }
0xbd: {  	s30 =	sld [smem:$0x0];
	_ =	sdelay $0x2  }
0xbe: {  	s31 =	sshll.u32 s1, $0xD;
	s1 =	sshrl.u32 s1, $0x2  }
0xbf: {  	s3 =	sand.u32 $0x4000, s31;
	s1 =	sadd.s32 s1, s30  }
0xc0: {  	s0 =	sor.u32 s3, s0;
	s1 =	sshll.u32 s1, $0x11  }
0xc1: {  	s0 =	sor.u32 s1, s0  }
0xc2: {  	s0 =	sadd.s32 $0x8F2B, s0  }
0xc3: {  	[sflag:s0] =	ssyncadd.remote.s32 $0x1  }
0xc4: {  	_ =	sfence.sel $0xFFFF  }
0xc5: {  	[dreg:$0x0] =	wrdreg $0xFFFFFFFF;
	(pc) =	sbr.abs _section_cstart, $3  }
0xc6: {  	[dreg:$0x1] =	wrdreg $0xFFFFFFFF  }
0xc7: {  	_ =	task.clear_ibuf [dreg:s8], $0x2FFFF;
	_ =	strace $0x9FFFFFFF  }
0xc8: {  	(tm) =	ssettm $0x7FFFFFFF  }
0xc9: {  	_ =	shalt  }
tec
execute0_lowered:
.L_overlay_start_1:
0x0: {  	(tag) =	ssettag $0x1  }
0x1: {  	s1 =	srdreg.scid  }
0x2: {  	s0 =	stileid.u32;
	s15 =	sand.u32 $0x1, s1  }
0x3: {  	s3 =	rddreg [dreg:$0x0];
	s4 =	sshll.u32 s0, $0x10;
	s5 =	sshll.u32 s15, $0xF  }
0x4: {  	s7 =	rddreg [dreg:$0x1];
	s2 =	simm.s32 $0x0;
	s8 =	sor.u32 s5, s4  }
0x5: {  	[smem:$0x7FF] =	sst s2;
	s13 =	sadd.s32 s8, s3  }
0x6: {  	s1 =	rddreg [dreg:$0x2];
	_ =	strace $0x80000047;
	s3 =	sadd.s32 $0x700000, s13  }
0x7: {  	[tilespmem:s2], [sflag:$0x1] =	stream.linear.gather [hbm4b:s3+s2], $0x10000, $0x38;
	v63 =	vld [tilespmem:$0x0]  }
0x8: {  	s6 =	simm.s32 $0x1;
	s5 =	simm.s32 $0x10000;
	s4 =	sadd.s32 $0x702000, s13  }
0x9: {  	[tilespmem:s5], [sflag:$0x2] =	stream.linear.gather [hbm4b:s4+s2], $0x10000, $0x38;
	v63 =	vld [tilespmem:$0x0]  }
0xa: {  	_ =	swait.ge [sflag:s6], $0x10000  }
0xb: {  	[sflag:s6] =	ssyncset.done $0x0  }
0xc: {  	s7 =	sadd.s32 s7, s8;
	s8 =	simm.s32 $0x2;
	[sflag:s6] =	ssyncadd.s32 $0xFFFF0000  }
0xd: {  	[hbm4b:s7+s2] =	stream.linear.scatter [tilespmem:s2], [sflag:$0x3], $0x10000, $0x38;
	v63 =	vld [tilespmem:$0x0]  }
0xe: {  	_ =	swait.ge [sflag:s8], $0x10000  }
0xf: {  	[sflag:s8] =	ssyncset.done $0x0  }
0x10: {  	s10 =	simm.s32 $0x3;
	s9 =	sadd.s32 $0x2000, s7;
	[sflag:s8] =	ssyncadd.s32 $0xFFFF0000  }
0x11: {  	[hbm4b:s9+s2] =	stream.linear.scatter [tilespmem:s5], [sflag:$0x4], $0x10000, $0x38;
	v63 =	vld [tilespmem:$0x0]  }
0x12: {  	_ =	swait.ge [sflag:s10], $0x10000  }
0x13: {  	[sflag:s10] =	ssyncset.done $0x0  }
0x14: {  	s11 =	simm.s32 $0x4;
	s12 =	sadd.s32 $0x704000, s13;
	[sflag:s10] =	ssyncadd.s32 $0xFFFF0000  }
0x15: {  	[tilespmem:s2], [sflag:$0x1] =	stream.linear.gather [hbm4b:s12+s2], $0x10000, $0x38;
	v63 =	vld [tilespmem:$0x0]  }
0x16: {  	_ =	swait.ge [sflag:s11], $0x10000  }
0x17: {  	[sflag:s11] =	ssyncset.done $0x0  }
0x18: {  	s13 =	sadd.s32 $0x706000, s13;
	[sflag:s11] =	ssyncadd.s32 $0xFFFF0000  }
0x19: {  	[tilespmem:s5], [sflag:$0x2] =	stream.linear.gather [hbm4b:s13+s2], $0x10000, $0x38;
	v63 =	vld [tilespmem:$0x0]  }
0x1a: {  	_ =	swait.ge [sflag:s6], $0x10000  }
0x1b: {  	s16 =	ssub.s32 $0x2, s15;
	[sflag:s6] =	ssyncset.done $0x0  }
0x1c: {  	s17 =	sshrl.u32 s16, $0x1;
	s14 =	sadd.s32 $0x4000, s7;
	[sflag:s6] =	ssyncadd.s32 $0xFFFF0000  }
0x1d: {  	[hbm4b:s14+s2] =	stream.linear.scatter [tilespmem:s2], [sflag:$0x3], $0x10000, $0x38;
	v63 =	vld [tilespmem:$0x0]  }
0x1e: {  	s16 =	ssub.s32 s16, s17;
	_ =	swait.ge [sflag:s8], $0x10000  }
0x1f: {  	s16 =	smax.u32 s16, $0x1;
	[sflag:s8] =	ssyncset.done $0x0  }
0x20: {  	s15 =	sadd.s32 $0x6000, s7;
	p0 =	sne.s32 s16, $0x1;
	[sflag:s8] =	ssyncadd.s32 $0xFFFF0000  }
0x21: {  	[hbm4b:s15+s2] =	stream.linear.scatter [tilespmem:s5], [sflag:$0x4], $0x10000, $0x38;
	v63 =	vld [tilespmem:$0x0]  }
.Ltmp0:
0x22: {  	_ =	swait.ge [sflag:s10], $0x10000;
	(pc) =	sbr.rel @!p0 .LBB2_2-.Ltmp0, $4  }
0x23: {  	[sflag:s10] =	ssyncset.done $0x0  }
0x24: {  	[sflag:s10] =	ssyncadd.s32 $0xFFFF0000  }
0x25: {  	_ =	swait.ge [sflag:s11], $0x10000  }
0x26: {  	s16 =	sadd.s32 $0xFFFFFFFF, s16;
	[sflag:s11] =	ssyncset.done $0x0  }
.LBB2_1:
0x27: {  	p0 =	sne.s32 s16, $0x1;
	s16 =	sadd.s32 $0xFFFFFFFF, s16;
	[sflag:s11] =	ssyncadd.s32 $0xFFFF0000  }
0x28: {  	[tilespmem:s2], [sflag:$0x1] =	stream.linear.gather [hbm4b:s3+s2], $0x10000, $0x38;
	v63 =	vld [tilespmem:$0x0]  }
0x29: {  	_ = 	snop  }
0x2a: {  	[tilespmem:s5], [sflag:$0x2] =	stream.linear.gather [hbm4b:s4+s2], $0x10000, $0x38;
	v63 =	vld [tilespmem:$0x0]  }
0x2b: {  	_ =	swait.ge [sflag:s6], $0x10000  }
0x2c: {  	[sflag:s6] =	ssyncset.done $0x0  }
0x2d: {  	[sflag:s6] =	ssyncadd.s32 $0xFFFF0000  }
0x2e: {  	[hbm4b:s7+s2] =	stream.linear.scatter [tilespmem:s2], [sflag:$0x3], $0x10000, $0x38;
	v63 =	vld [tilespmem:$0x0]  }
0x2f: {  	_ =	swait.ge [sflag:s8], $0x10000  }
0x30: {  	[sflag:s8] =	ssyncset.done $0x0  }
0x31: {  	[sflag:s8] =	ssyncadd.s32 $0xFFFF0000  }
0x32: {  	[hbm4b:s9+s2] =	stream.linear.scatter [tilespmem:s5], [sflag:$0x4], $0x10000, $0x38;
	v63 =	vld [tilespmem:$0x0]  }
0x33: {  	_ =	swait.ge [sflag:s10], $0x10000  }
0x34: {  	[sflag:s10] =	ssyncset.done $0x0  }
0x35: {  	[sflag:s10] =	ssyncadd.s32 $0xFFFF0000  }
0x36: {  	[tilespmem:s2], [sflag:$0x1] =	stream.linear.gather [hbm4b:s12+s2], $0x10000, $0x38;
	v63 =	vld [tilespmem:$0x0]  }
0x37: {  	_ =	swait.ge [sflag:s11], $0x10000  }
0x38: {  	[sflag:s11] =	ssyncset.done $0x0  }
0x39: {  	[sflag:s11] =	ssyncadd.s32 $0xFFFF0000  }
0x3a: {  	[tilespmem:s5], [sflag:$0x2] =	stream.linear.gather [hbm4b:s13+s2], $0x10000, $0x38;
	v63 =	vld [tilespmem:$0x0]  }
0x3b: {  	_ =	swait.ge [sflag:s6], $0x10000  }
0x3c: {  	[sflag:s6] =	ssyncset.done $0x0  }
0x3d: {  	[sflag:s6] =	ssyncadd.s32 $0xFFFF0000  }
0x3e: {  	[hbm4b:s14+s2] =	stream.linear.scatter [tilespmem:s2], [sflag:$0x3], $0x10000, $0x38;
	v63 =	vld [tilespmem:$0x0]  }
0x3f: {  	_ =	swait.ge [sflag:s8], $0x10000  }
0x40: {  	[sflag:s8] =	ssyncset.done $0x0  }
0x41: {  	[sflag:s8] =	ssyncadd.s32 $0xFFFF0000  }
0x42: {  	[hbm4b:s15+s2] =	stream.linear.scatter [tilespmem:s5], [sflag:$0x4], $0x10000, $0x38;
	v63 =	vld [tilespmem:$0x0]  }
.Ltmp1:
0x43: {  	_ =	swait.ge [sflag:s10], $0x10000;
	(pc) =	sbr.rel @p0 .LBB2_1-.Ltmp1, $4  }
0x44: {  	[sflag:s10] =	ssyncset.done $0x0  }
0x45: {  	[sflag:s10] =	ssyncadd.s32 $0xFFFF0000  }
0x46: {  	_ =	swait.ge [sflag:s11], $0x10000  }
0x47: {  	[sflag:s11] =	ssyncset.done $0x0  }
.LBB2_2:
0x48: {  	[sflag:s11] =	ssyncadd.s32 $0xFFFF0000  }
0x49: {  	_ =	sfence.sel $0x180000  }
0x4a: {  	[bflag:$0x0] =	sbarrier.arrive $0xFFFF  }
0x4b: {  	p0 =	sne.s32 s0, $0x0;
	_ =	strace $0x90000047  }
0x4c: {  	s0 =	sadd.s32 @!p0 $0x100000, s1;
	[bflag:$0x2] =	sbarrier.arrive $0xFFFF  }
0x4d: {  	[sflag:s0] =	ssyncadd.tile.s32 @!p0 $0x1;
	_ =	shalt  }
.Lfunc_end2:
_tile_overlayer_lowered:
.L_overlay_start_2:
0x4e: {  	(tag) =	ssettag $0x2  }
0x4f: {  	s0 =	rddreg [dreg:$0x0];
	s2 =	stileid.u32  }
0x50: {  	s1 =	rddreg [dreg:$0x1];
	p0 =	sne.s32 s2, $0x0  }
0x51: {  	s3 =	rddreg [dreg:$0x2];
	[bflag:$0x3] =	sbarrier.arrive $0xFFFF;
	s2 =	simm.s32 @!p0 $0x1C05  }
0x52: {  	[timem:s3], [sflag:s2] =	dma.local @!p0 [hbm:s0], s1  }
0x53: {  	s0 =	simm.s32 @!p0 $0x5  }
0x54: {  	_ =	swait.ge @!p0 [sflag:s0], s1  }
0x55: {  	s1 =	ssub.s32 @!p0 $0x0, s1;
	[sflag:s0] =	ssyncset.done @!p0 $0x0  }
0x56: {  	[sflag:s0] =	ssyncadd.s32 @!p0 s1  }
0x57: {  	[bflag:$0x3] =	sbarrier.arrive $0xFFFF  }
0x58: {  	_ =	shalt  }

</sc_bundles>
